<compile_context>
chip_gen: v7x
topology: tpu7x:2x2x1
jax: 0.10.2.dev20260603
libtpu: 0.0.44.dev20260713+nightly
codegen_flags: <defaults>
</compile_context>

<pallas_src>
import functools

import jax
import jax.numpy as jnp
from jax import lax
from jax.experimental import pallas as pl
from jax.experimental.pallas import tpu as pltpu
from jax.experimental.pallas import tpu_sc as plsc

_LANES = 16


@functools.partial(jax.jit, static_argnames=("chunk", "chunks_per_bag"))
def _sc_bag_sums(idx3, table, *, chunk, chunks_per_bag):
    nw, chunks_per_w, _ = idx3.shape
    d = table.shape[1]
    bags_per_w = chunks_per_w // chunks_per_bag
    d_vregs = d // _LANES
    mesh = plsc.VectorSubcoreMesh(core_axis_name="c", subcore_axis_name="s")
    nc = mesh.num_cores

    @functools.partial(
        pl.kernel,
        out_type=jax.ShapeDtypeStruct((nw, bags_per_w, d), jnp.float32),
        mesh=mesh,
        scratch_types=[
            pltpu.VMEM((chunks_per_w, chunk), jnp.int32),
            pltpu.VMEM((chunk, d), jnp.float32),
            pltpu.VMEM((bags_per_w, d), jnp.float32),
            pltpu.SemaphoreType.DMA,
        ],
        compiler_params=pltpu.CompilerParams(use_tc_tiling_on_sc=False),
    )
    def body(idx_hbm, table_hbm, out_hbm, idx_v, rows_v, out_v, sem):
        wid = lax.axis_index("s") * nc + lax.axis_index("c")
        pltpu.sync_copy(idx_hbm.at[wid], idx_v)

        def bag_body(bag, carry):
            def chunk_body(h, accs):
                ch = bag * chunks_per_bag + h
                pltpu.async_copy(table_hbm.at[idx_v.at[ch]], rows_v, sem).wait()

                def row_body(i, a):
                    return tuple(
                        a[v] + rows_v[i, pl.ds(v * _LANES, _LANES)]
                        for v in range(d_vregs)
                    )

                return lax.fori_loop(0, chunk, row_body, accs)

            zeros = (jnp.zeros((_LANES,), jnp.float32),) * d_vregs
            accs = lax.fori_loop(0, chunks_per_bag, chunk_body, zeros)
            for v in range(d_vregs):
                out_v[bag, pl.ds(v * _LANES, _LANES)] = accs[v]
            return carry

        lax.fori_loop(0, bags_per_w, bag_body, 0)
        pltpu.sync_copy(out_v, out_hbm.at[wid])

    return body(idx3, table)


def _proj_body(x_ref, w_ref, b_ref, o_ref, *, scale):
    acc = lax.dot_general(
        x_ref[...], w_ref[...], (((1,), (1,)), ((), ())),
        preferred_element_type=jnp.float32,
    )
    o_ref[...] = acc * scale + b_ref[...]


@functools.partial(jax.jit, static_argnames=("scale",))
def _tc_project(x, w, b2, *, scale):
    bdim, _ = x.shape
    c = w.shape[0]
    return pl.pallas_call(
        functools.partial(_proj_body, scale=scale),
        out_shape=jax.ShapeDtypeStruct((bdim, c), jnp.float32),
    )(x, w, b2)


def kernel(text, offsets, table, W, b):
    bdim, seq = text.shape
    d = table.shape[1]
    nw = 32
    chunk = 100
    chunks_per_bag = seq // chunk
    flat = text.reshape(-1).astype(jnp.int32)
    idx3 = flat.reshape(nw, (bdim * seq) // (nw * chunk), chunk)
    sums = _sc_bag_sums(idx3, table, chunk=chunk, chunks_per_bag=chunks_per_bag)
    x = sums.reshape(bdim, d)
    return _tc_project(x, W, b.reshape(1, -1).astype(jnp.float32),
                       scale=1.0 / seq)

# --- scband reference (transcript-rebuilt; emitter-appended) ---
"""Pipeline reference for scband-text-sentiment-50491635531850 (READ-ONLY COPY).

The authoritative reference and input builder live on the scoring server;
editing this copy changes nothing except your own understanding.
"""

import jax, jax.numpy as jnp
import numpy as np

B, L, V, D, C = 4096, 200, 1000000, 32, 2

def setup_inputs(seed: int = 0) -> dict:
    key = jax.random.key(seed)
    k1, k2, k3 = jax.random.split(key, 3)
    text = jax.random.randint(k1, (B, L), 0, V, dtype=jnp.int64 if jax.config.jax_enable_x64 else jnp.int32)
    offsets = jnp.arange(B) * L
    table = jax.random.uniform(k2, (V, D), minval=-0.1, maxval=0.1, dtype=jnp.float32)
    W = jax.random.uniform(k3, (C, D), minval=-0.1, maxval=0.1, dtype=jnp.float32)
    b = jnp.zeros((C,), dtype=jnp.float32)
    return {"text": text, "offsets": offsets, "table": table, "W": W, "b": b}

def reference(text, offsets, table, W, b):
    # Module ignores the passed offsets and rebuilds equal-length bags of size seq_len.
    # EmbeddingBag default mode='mean' over each bag.
    flat = text.reshape(-1)
    emb = jnp.take(table, flat, axis=0).reshape(text.shape[0], text.shape[1], table.shape[1])
    bag = jnp.mean(emb, axis=1)
    return bag @ W.T + b

if __name__ == "__main__":
    import jax
    _d = setup_inputs()
    print(jax.jit(kernel)(*tuple(_d.values())))

</pallas_src>

<mosaic_0001>
#map = affine_map<(d0, d1) -> (0, 0, 0)>
#map1 = affine_map<(d0, d1) -> (0, 0)>
module attributes {stable_mosaic.version = 14 : i64} {
  func.func @body(%arg0: i32, %arg1: i32, %arg2: memref<32x256x100xi32, #tpu.memory_space<hbm>>, %arg3: memref<1000000x32xf32, #tpu.memory_space<hbm>>, %arg4: memref<32x128x32xf32, #tpu.memory_space<hbm>>, %arg5: memref<256x100xi32, #tpu.memory_space<vmem>>, %arg6: memref<100x32xf32, #tpu.memory_space<vmem>>, %arg7: memref<128x32xf32, #tpu.memory_space<vmem>>, %arg8: memref<!tpu.dma_semaphore, #tpu.memory_space<semaphore_mem>>) attributes {dimension_semantics = [#tpu.dimension_semantics<core_parallel>, #tpu.dimension_semantics<subcore_parallel>], iteration_bounds = array<i64: 2, 16>, scalar_prefetch = 0 : i64, scratch_operands = 4 : i64, tpu.core_type = #tpu.core_type<sc_vector_subcore>, window_params = [{transform_indices = #map}, {transform_indices = #map1}, {transform_indices = #map}]} {
    %mul3A = arith.constant 2 : i32
    %mul3A_0 = arith.muli %arg1, %mul3A : i32
    %add3A = arith.addi %mul3A_0, %arg0 : i32
    "tpu.region"() ({
      %run_scoped3A = tpu.sem_alloc : memref<!tpu.dma_semaphore, #tpu.memory_space<semaphore_mem>>
      %dma_start3A = arith.constant 0 : i32
      %dma_start3A_6 = arith.constant 0 : i32
      %dma_start3A_7 = tpu.memref_slice %arg2[%add3A, %dma_start3A, %dma_start3A_6] : memref<32x256x100xi32, #tpu.memory_space<hbm>> -> memref<1x256x100xi32, #tpu.memory_space<hbm>>
      %dma_start3A_8 = tpu.memref_squeeze %dma_start3A_7 : memref<1x256x100xi32, #tpu.memory_space<hbm>> -> memref<256x100xi32, #tpu.memory_space<hbm>>
      %dma_start3A_9 = arith.constant 0 : i32
      %dma_start3A_10 = arith.constant 0 : i32
      %dma_start3A_11 = tpu.memref_slice %arg2[%add3A, %dma_start3A_9, %dma_start3A_10] : memref<32x256x100xi32, #tpu.memory_space<hbm>> -> memref<1x256x100xi32, #tpu.memory_space<hbm>>
      %dma_start3A_12 = tpu.memref_squeeze %dma_start3A_11 : memref<1x256x100xi32, #tpu.memory_space<hbm>> -> memref<256x100xi32, #tpu.memory_space<hbm>>
      tpu.enqueue_dma source(%dma_start3A_12 : memref<256x100xi32, #tpu.memory_space<hbm>>) target(%arg5 : memref<256x100xi32, #tpu.memory_space<vmem>>) target_semaphore(%run_scoped3A : memref<!tpu.dma_semaphore, #tpu.memory_space<semaphore_mem>>)
      %dma_wait3A = arith.constant 0 : i32
      %dma_wait3A_13 = arith.constant 0 : i32
      %dma_wait3A_14 = tpu.memref_slice %arg2[%add3A, %dma_wait3A, %dma_wait3A_13] : memref<32x256x100xi32, #tpu.memory_space<hbm>> -> memref<1x256x100xi32, #tpu.memory_space<hbm>>
      %dma_wait3A_15 = tpu.memref_squeeze %dma_wait3A_14 : memref<1x256x100xi32, #tpu.memory_space<hbm>> -> memref<256x100xi32, #tpu.memory_space<hbm>>
      %dma_wait3A_16 = arith.constant 0 : i32
      %dma_wait3A_17 = arith.constant 0 : i32
      %dma_wait3A_18 = tpu.memref_slice %arg2[%add3A, %dma_wait3A_16, %dma_wait3A_17] : memref<32x256x100xi32, #tpu.memory_space<hbm>> -> memref<1x256x100xi32, #tpu.memory_space<hbm>>
      %dma_wait3A_19 = tpu.memref_squeeze %dma_wait3A_18 : memref<1x256x100xi32, #tpu.memory_space<hbm>> -> memref<256x100xi32, #tpu.memory_space<hbm>>
      tpu.wait_dma2 semaphore(%run_scoped3A : memref<!tpu.dma_semaphore, #tpu.memory_space<semaphore_mem>>) src(%dma_wait3A_19 : memref<256x100xi32, #tpu.memory_space<hbm>>) dst(%arg5 : memref<256x100xi32, #tpu.memory_space<vmem>>)
      tpu.yield
    }) : () -> ()
    %scan3A = arith.constant 0 : i32
    %scan3A_1 = arith.constant 0 : i32
    %scan3A_2 = arith.constant 128 : i32
    %scan3A_3 = arith.addi %scan3A_1, %scan3A_2 : i32
    %scan3A_4 = arith.constant 1 : i32
    scf.for %scan3A_6 = %scan3A_1 to %scan3A_3 step %scan3A_4  : i32 {
      %broadcast_in_dim3A = arith.constant 0.000000e+00 : f32
      %broadcast_in_dim3A_7 = vector.broadcast %broadcast_in_dim3A : f32 to vector<16xf32>
      %scan3A_8 = arith.constant 0 : i32
      %scan3A_9 = arith.constant 2 : i32
      %scan3A_10 = arith.addi %scan3A_8, %scan3A_9 : i32
      %scan3A_11 = arith.constant 1 : i32
      %scan3A_12:2 = scf.for %scan3A_23 = %scan3A_8 to %scan3A_10 step %scan3A_11 iter_args(%scan3A_24 = %broadcast_in_dim3A_7, %scan3A_25 = %broadcast_in_dim3A_7) -> (vector<16xf32>, vector<16xf32>)  : i32 {
        %mul3A_26 = arith.constant 2 : i32
        %mul3A_27 = arith.muli %scan3A_6, %mul3A_26 : i32
        %add3A_28 = arith.addi %mul3A_27, %scan3A_23 : i32
        %dma_start3A = arith.constant 0 : i32
        %dma_start3A_29 = tpu.memref_slice %arg5[%add3A_28, %dma_start3A] : memref<256x100xi32, #tpu.memory_space<vmem>> -> memref<1x100xi32, #tpu.memory_space<vmem>>
        %dma_start3A_30 = tpu.memref_squeeze %dma_start3A_29 : memref<1x100xi32, #tpu.memory_space<vmem>> -> memref<100xi32, #tpu.memory_space<vmem>>
        %dma_start3A_31 = arith.constant 0 : i32
        %dma_start3A_32 = arith.constant 0 : i32
        %dma_start3A_33 = tpu.memref_slice %arg3[%dma_start3A_31, %dma_start3A_32] : memref<1000000x32xf32, #tpu.memory_space<hbm>> -> memref<1000000x32xf32, #tpu.memory_space<hbm>>
        tpu.enqueue_indirect_dma source(%dma_start3A_33 : memref<1000000x32xf32, #tpu.memory_space<hbm>>) target(%arg6 : memref<100x32xf32, #tpu.memory_space<vmem>>) offsets(%dma_start3A_30 : memref<100xi32, #tpu.memory_space<vmem>>) semaphore(%arg8 : memref<!tpu.dma_semaphore, #tpu.memory_space<semaphore_mem>>)
        %dma_wait3A = arith.constant 0 : i32
        %dma_wait3A_34 = tpu.memref_slice %arg5[%add3A_28, %dma_wait3A] : memref<256x100xi32, #tpu.memory_space<vmem>> -> memref<1x100xi32, #tpu.memory_space<vmem>>
        %dma_wait3A_35 = tpu.memref_squeeze %dma_wait3A_34 : memref<1x100xi32, #tpu.memory_space<vmem>> -> memref<100xi32, #tpu.memory_space<vmem>>
        %dma_wait3A_36 = arith.constant 0 : i32
        %dma_wait3A_37 = arith.constant 0 : i32
        %dma_wait3A_38 = tpu.memref_slice %arg3[%dma_wait3A_36, %dma_wait3A_37] : memref<1000000x32xf32, #tpu.memory_space<hbm>> -> memref<1000000x32xf32, #tpu.memory_space<hbm>>
        tpu.wait_indirect_dma semaphore(%arg8 : memref<!tpu.dma_semaphore, #tpu.memory_space<semaphore_mem>>) src(%dma_wait3A_38 : memref<1000000x32xf32, #tpu.memory_space<hbm>>) dst(%arg6 : memref<100x32xf32, #tpu.memory_space<vmem>>)
        %scan3A_39 = arith.constant 0 : i32
        %scan3A_40 = arith.constant 100 : i32
        %scan3A_41 = arith.addi %scan3A_39, %scan3A_40 : i32
        %scan3A_42 = arith.constant 1 : i32
        %scan3A_43:2 = scf.for %scan3A_45 = %scan3A_39 to %scan3A_41 step %scan3A_42 iter_args(%scan3A_46 = %scan3A_24, %scan3A_47 = %scan3A_25) -> (vector<16xf32>, vector<16xf32>)  : i32 {
          %get3A = arith.index_cast %scan3A_45 : i32 to index
          %get3A_48 = arith.constant 0 : index
          %get3A_49 = tpu.vector_load %arg6[%get3A, %get3A_48] {strides = array<i32>} : memref<100x32xf32, #tpu.memory_space<vmem>>, vector<1x16xf32>,
          %get3A_50 = vector.shape_cast %get3A_49 : vector<1x16xf32> to vector<16xf32>
          %add3A_51 = arith.addf %scan3A_46, %get3A_50 : vector<16xf32>
          %get3A_52 = arith.index_cast %scan3A_45 : i32 to index
          %get3A_53 = arith.constant 16 : index
          %get3A_54 = tpu.vector_load %arg6[%get3A_52, %get3A_53] {strides = array<i32>} : memref<100x32xf32, #tpu.memory_space<vmem>>, vector<1x16xf32>,
          %get3A_55 = vector.shape_cast %get3A_54 : vector<1x16xf32> to vector<16xf32>
          %add3A_56 = arith.addf %scan3A_47, %get3A_55 : vector<16xf32>
          scf.yield %add3A_51, %add3A_56 : vector<16xf32>, vector<16xf32>
        }
        %scan3A_44 = arith.constant 100 : i32
        scf.yield %scan3A_43#0, %scan3A_43#1 : vector<16xf32>, vector<16xf32>
      }
      %scan3A_13 = arith.constant 2 : i32
      %swap3A = arith.index_cast %scan3A_6 : i32 to index
      %swap3A_14 = arith.constant 0 : index
      %swap3A_15 = tpu.vector_load %arg7[%swap3A, %swap3A_14] {strides = array<i32>} : memref<128x32xf32, #tpu.memory_space<vmem>>, vector<1x16xf32>,
      %swap3A_16 = vector.shape_cast %swap3A_15 : vector<1x16xf32> to vector<16xf32>
      %swap3A_17 = vector.shape_cast %scan3A_12#0 : vector<16xf32> to vector<1x16xf32>
      tpu.vector_store %arg7[%swap3A, %swap3A_14], %swap3A_17 {strides = array<i32>} : memref<128x32xf32, #tpu.memory_space<vmem>>, vector<1x16xf32>,
      %swap3A_18 = arith.index_cast %scan3A_6 : i32 to index
      %swap3A_19 = arith.constant 16 : index
      %swap3A_20 = tpu.vector_load %arg7[%swap3A_18, %swap3A_19] {strides = array<i32>} : memref<128x32xf32, #tpu.memory_space<vmem>>, vector<1x16xf32>,
      %swap3A_21 = vector.shape_cast %swap3A_20 : vector<1x16xf32> to vector<16xf32>
      %swap3A_22 = vector.shape_cast %scan3A_12#1 : vector<16xf32> to vector<1x16xf32>
      tpu.vector_store %arg7[%swap3A_18, %swap3A_19], %swap3A_22 {strides = array<i32>} : memref<128x32xf32, #tpu.memory_space<vmem>>, vector<1x16xf32>,
    }
    %scan3A_5 = arith.constant 128 : i32
    "tpu.region"() ({
      %run_scoped3A = tpu.sem_alloc : memref<!tpu.dma_semaphore, #tpu.memory_space<semaphore_mem>>
      %dma_start3A = arith.constant 0 : i32
      %dma_start3A_6 = arith.constant 0 : i32
      %dma_start3A_7 = tpu.memref_slice %arg4[%add3A, %dma_start3A, %dma_start3A_6] : memref<32x128x32xf32, #tpu.memory_space<hbm>> -> memref<1x128x32xf32, #tpu.memory_space<hbm>>
      %dma_start3A_8 = tpu.memref_squeeze %dma_start3A_7 : memref<1x128x32xf32, #tpu.memory_space<hbm>> -> memref<128x32xf32, #tpu.memory_space<hbm>>
      %dma_start3A_9 = arith.constant 0 : i32
      %dma_start3A_10 = arith.constant 0 : i32
      %dma_start3A_11 = tpu.memref_slice %arg4[%add3A, %dma_start3A_9, %dma_start3A_10] : memref<32x128x32xf32, #tpu.memory_space<hbm>> -> memref<1x128x32xf32, #tpu.memory_space<hbm>>
      %dma_start3A_12 = tpu.memref_squeeze %dma_start3A_11 : memref<1x128x32xf32, #tpu.memory_space<hbm>> -> memref<128x32xf32, #tpu.memory_space<hbm>>
      tpu.enqueue_dma source(%arg7 : memref<128x32xf32, #tpu.memory_space<vmem>>) target(%dma_start3A_12 : memref<128x32xf32, #tpu.memory_space<hbm>>) target_semaphore(%run_scoped3A : memref<!tpu.dma_semaphore, #tpu.memory_space<semaphore_mem>>)
      %dma_wait3A = arith.constant 0 : i32
      %dma_wait3A_13 = arith.constant 0 : i32
      %dma_wait3A_14 = tpu.memref_slice %arg4[%add3A, %dma_wait3A, %dma_wait3A_13] : memref<32x128x32xf32, #tpu.memory_space<hbm>> -> memref<1x128x32xf32, #tpu.memory_space<hbm>>
      %dma_wait3A_15 = tpu.memref_squeeze %dma_wait3A_14 : memref<1x128x32xf32, #tpu.memory_space<hbm>> -> memref<128x32xf32, #tpu.memory_space<hbm>>
      %dma_wait3A_16 = arith.constant 0 : i32
      %dma_wait3A_17 = arith.constant 0 : i32
      %dma_wait3A_18 = tpu.memref_slice %arg4[%add3A, %dma_wait3A_16, %dma_wait3A_17] : memref<32x128x32xf32, #tpu.memory_space<hbm>> -> memref<1x128x32xf32, #tpu.memory_space<hbm>>
      %dma_wait3A_19 = tpu.memref_squeeze %dma_wait3A_18 : memref<1x128x32xf32, #tpu.memory_space<hbm>> -> memref<128x32xf32, #tpu.memory_space<hbm>>
      tpu.wait_dma2 semaphore(%run_scoped3A : memref<!tpu.dma_semaphore, #tpu.memory_space<semaphore_mem>>) src(%arg7 : memref<128x32xf32, #tpu.memory_space<vmem>>) dst(%dma_wait3A_19 : memref<128x32xf32, #tpu.memory_space<hbm>>)
      tpu.yield
    }) : () -> ()
    return
  }
}

</mosaic_0001>

<sc_bundles>
// kernel: _sc_bag_sums.3.cloned.1.call-start
scs
__scs_entry_jumppad:
0x0: {  	(pc) =	sbr.rel $0x88, $3  }
0x1: {  	(tag) =	ssettag $0x0;
	lr =	simm.s32 $0x1  }
0x2: {  	[smem:$0x3F9F] =	sst lr;
	_ =	strace $0xD0000000  }
0x3: {  	_ = 	snop  }
0x4: {  	_ = 	snop  }
0x5: {  	_ = 	snop  }
0x6: {  	_ = 	snop  }
0x7: {  	_ = 	snop  }
__scs_overlays_trampoline_lowered:
0x8: {  	[smem:$0x3FAE] =	sst s0  }
0x9: {  	[smem:$0x3FAF] =	sst s1  }
0xa: {  	[smem:$0x3FB0] =	sst s2  }
0xb: {  	[smem:$0x3FB1] =	sst s3  }
0xc: {  	[smem:$0x3FB2] =	sst s4  }
0xd: {  	[smem:$0x3FB3] =	sst s5  }
0xe: {  	[smem:$0x3FB4] =	sst s6  }
0xf: {  	[smem:$0x3FB5] =	sst s7  }
0x10: {  	[smem:$0x3FB6] =	sst s8  }
0x11: {  	[smem:$0x3FB7] =	sst s9;
	s0 =	simm.s32 @!p0 $0x0  }
0x12: {  	s1 =	sld [smem:$0x3F9D];
	s0 =	simm.s32 @p0 $0x1  }
0x13: {  	[smem:$0x3FB8] =	sst s0;
	s0 =	simm.s32 @!p1 $0x0  }
0x14: {  	s2 =	sld [smem:$0x3F9C];
	s0 =	simm.s32 @p1 $0x1  }
0x15: {  	[smem:$0x3FB9] =	sst s0;
	s0 =	simm.s32 @!p2 $0x0  }
0x16: {  	s3 =	sld [smem:$0x3FDB];
	s0 =	simm.s32 @p2 $0x1  }
0x17: {  	s4 =	simm.s32 $0x1BF5;
	[smem:$0x3FBB] =	sst s0  }
0x18: {  	s0 =	sld [smem:$0x3F9E];
	_ =	swait.ge [sflag:s4], $0x0  }
0x19: {  	s7 =	sld [smem:$0x3F9F]  }
0x1a: {  	s8 =	sadd.s32 $0xFFFFE003, lr  }
0x1b: {  	s9 =	sadd.s32 $0xFFFFFEF7, lr;
	s5 =	simm.s32 $0xFFFFFFFF;
	p2 =	slt.u32 s8, $0xFFFFF086  }
0x1c: {  	p1 =	slt.u32 s9, $0xF7A;
	s5 =	simm.s32 @!p2 $0x0  }
0x1d: {  	s5 =	simm.s32 @p1 $0x1;
	p0 =	seq.s32 s7, s2  }
0x1e: {  	s7 =	smul.u32 @!p0 $0xF7A, s2;
	p2 =	seq.s32 @!p0 s5, $0x0  }
0x1f: {  	s9 =	smul.u32 $0xF7A, s1;
	s8 =	simm.s32 @!p0 $0x1BF5;
	p2 =	por !p2, p0  }
0x20: {  	[sflag:s8] =	ssyncset.s32 @!p0 $0xFFFFF086;
	s6 =	sadd.s32 @!p0 s3, s7;
	s7 =	simm.s32 @!p0 $0x108  }
0x21: {  	s3 =	sadd.s32 s3, s9;
	s6 =	sadd.s32 @!p0 $0x88, s6;
	s7 =	simm.s32 @p2 $0x1082  }
0x22: {  	[simem:s7], [sflag:s8] =	dma.local @!p0 [hbm:s6], $0xF7A  }
0x23: {  	s9 =	sor.u32 $0xD0000000, s2;
	s6 =	simm.s32 $0x108;
	_ =	swait.ge @!p0 [sflag:s8], $0x0  }
0x24: {  	s3 =	sadd.s32 $0x88, s3;
	s6 =	simm.s32 @!p1 $0x1082;
	[sflag:s4] =	ssyncset.s32 $0xFFFFF086  }
0x25: {  	[simem:s6], [sflag:s4] =	dma.local [hbm:s3], $0xF7A  }
0x26: {  	[smem:$0x3F9F] =	sst s1;
	(tag) =	ssettag s2;
	_ =	strace s9  }
0x27: {  	s1 =	sld [smem:$0x3FAF]  }
0x28: {  	s2 =	sld [smem:$0x3FB0]  }
0x29: {  	s4 =	sld [smem:$0x3FB2]  }
0x2a: {  	p0 =	seq.s32 s5, $0x0;
	s5 =	sld [smem:$0x3FB3]  }
0x2b: {  	s6 =	sld [smem:$0x3FB4]  }
0x2c: {  	s7 =	sld [smem:$0x3FB5]  }
0x2d: {  	s3 =	simm.s32 $0x108;
	s8 =	sld [smem:$0x3FB6]  }
0x2e: {  	s3 =	simm.s32 @!p0 $0x1082;
	s9 =	sld [smem:$0x3FB7]  }
0x2f: {  	lr =	sadd.s32 s0, s3;
	s0 =	sld [smem:$0x3FAE]  }
0x30: {  	s3 =	sld [smem:$0x3FB1]  }
0x31: {  	[smem:$0x3FBA] =	sst s10  }
0x32: {  	s10 =	sld [smem:$0x3FB8];
	_ =	sdelay $0x3  }
0x33: {  	p0 =	seq.s32 s10, $0x1;
	s10 =	sld [smem:$0x3FBA];
	_ =	sdelay $0x3  }
0x34: {  	[smem:$0x3FBA] =	sst s10  }
0x35: {  	s10 =	sld [smem:$0x3FB9];
	_ =	sdelay $0x3  }
0x36: {  	p1 =	seq.s32 s10, $0x1;
	s10 =	sld [smem:$0x3FBA];
	_ =	sdelay $0x3  }
0x37: {  	[smem:$0x3FBA] =	sst s10  }
0x38: {  	s10 =	sld [smem:$0x3FBB]  }
0x39: {  	_ = 	snop;
	(pc) =	sbr.ind lr, $3  }
0x3a: {  	_ = 	snop  }
0x3b: {  	_ = 	snop  }
0x3c: {  	p2 =	seq.s32 s10, $0x1;
	s10 =	sld [smem:$0x3FBA]  }
0x3d: {  	_ =	shalt  }
0x3e: {  	_ =	shalt  }
0x3f: {  	_ =	shalt  }
0x40: {  	_ =	shalt  }
0x41: {  	_ =	shalt  }
0x42: {  	_ =	shalt  }
0x43: {  	_ =	shalt  }
0x44: {  	_ =	shalt  }
0x45: {  	_ =	shalt  }
0x46: {  	_ =	shalt  }
0x47: {  	_ =	shalt  }
0x48: {  	_ =	shalt  }
0x49: {  	_ =	shalt  }
0x4a: {  	_ =	shalt  }
0x4b: {  	_ =	shalt  }
0x4c: {  	_ =	shalt  }
0x4d: {  	_ =	shalt  }
0x4e: {  	_ =	shalt  }
0x4f: {  	_ =	shalt  }
0x50: {  	_ =	shalt  }
0x51: {  	_ =	shalt  }
0x52: {  	_ =	shalt  }
0x53: {  	_ =	shalt  }
0x54: {  	_ =	shalt  }
0x55: {  	_ =	shalt  }
0x56: {  	_ =	shalt  }
0x57: {  	_ =	shalt  }
0x58: {  	_ =	shalt  }
0x59: {  	_ =	shalt  }
0x5a: {  	_ =	shalt  }
0x5b: {  	_ =	shalt  }
0x5c: {  	_ =	shalt  }
0x5d: {  	_ =	shalt  }
0x5e: {  	_ =	shalt  }
0x5f: {  	_ =	shalt  }
0x60: {  	_ =	shalt  }
0x61: {  	_ =	shalt  }
0x62: {  	_ =	shalt  }
0x63: {  	_ =	shalt  }
0x64: {  	_ =	shalt  }
0x65: {  	_ =	shalt  }
0x66: {  	_ =	shalt  }
0x67: {  	_ =	shalt  }
0x68: {  	_ =	shalt  }
0x69: {  	_ =	shalt  }
0x6a: {  	_ =	shalt  }
0x6b: {  	_ =	shalt  }
0x6c: {  	_ =	shalt  }
0x6d: {  	_ =	shalt  }
0x6e: {  	_ =	shalt  }
0x6f: {  	_ =	shalt  }
0x70: {  	_ =	shalt  }
0x71: {  	_ =	shalt  }
0x72: {  	_ =	shalt  }
0x73: {  	_ =	shalt  }
0x74: {  	_ =	shalt  }
0x75: {  	_ =	shalt  }
0x76: {  	_ =	shalt  }
0x77: {  	_ =	shalt  }
0x78: {  	_ =	shalt  }
0x79: {  	_ =	shalt  }
0x7a: {  	_ =	shalt  }
0x7b: {  	_ =	shalt  }
0x7c: {  	_ =	shalt  }
0x7d: {  	_ =	shalt  }
0x7e: {  	_ =	shalt  }
0x7f: {  	_ =	shalt  }
0x80: {  	_ =	shalt  }
0x81: {  	_ =	shalt  }
0x82: {  	_ =	shalt  }
0x83: {  	_ =	shalt  }
0x84: {  	_ =	shalt  }
0x85: {  	_ =	shalt  }
0x86: {  	_ =	shalt  }
0x87: {  	_ =	shalt  }
.Lfunc_end0:
.L_simem_size_0:
called_computation_lowered:
.L_overlay_start_0:
0x88: {  	s2 =	sld [smem:$0x3FD9]  }
0x89: {  	s3 =	sld [smem:$0x3FFE];
	_ =	sdelay $0x1  }
0x8a: {  	s1 =	srdreg.scid  }
0x8b: {  	s0 =	sand.u32 $0x1, s1  }
0x8c: {  	s17 =	sshll.u32 s0, $0xA;
	s2 =	sadd.s32 s3, s2  }
0x8d: {  	s2 =	sadd.s32 s2, s17  }
0x8e: {  	[smem:$0x3FC6] =	sst s2  }
0x8f: {  	_ = 	snop  }
0x90: {  	s2 =	sld [smem:$0x3FD0];
	(tm) =	ssettm $0x1  }
0x91: {  	s18 =	sld [smem:$0x3FFB];
	_ =	sdelay $0x3  }
0x92: {  	_ =	strace s18  }
0x93: {  	s3 =	sld [smem:$0x3FFC];
	_ =	sdelay $0x3  }
0x94: {  	_ =	strace s3  }
0x95: {  	s3 =	sld [smem:$0x3FFD];
	_ =	sdelay $0x3  }
0x96: {  	_ =	strace s3  }
0x97: {  	_ =	strace $0x8FFFFFFF  }
0x98: {  	s19 =	sld [smem:$0x3FDB];
	_ =	sdelay $0x1  }
0x99: {  	s4 =	simm.s32 $_scs_section_size  }
0x9a: {  	s5 =	simm.s32 $_size__tile_overlayer_lowered;
	s6 =	simm.s32 $_tile_overlayer_lowered  }
0x9b: {  	s22 =	simm.s32 $0x1BFF;
	s21 =	sshll.u32 s6, $0x1;
	s3 =	sadd.s32 s4, s19  }
0x9c: {  	s7 =	simm.s32 $0x0;
	s20 =	sshll.u32 s5, $0x1;
	s5 =	sadd.s32 s21, s3  }
0x9d: {  	[timem:s7], [sflag:s22] =	dma.local [hbm:s5], s20  }
0x9e: {  	_ =	swait.ge [sflag:s22], s20  }
0x9f: {  	s4 =	ssub.s32 $0x0, s20;
	[sflag:s22] =	ssyncset.done $0x0  }
0xa0: {  	[sflag:s22] =	ssyncadd.s32 s4;
	_ =	sdelay $0x1  }
0xa1: {  	s23 =	simm.s32 $0x1B8B  }
0xa2: {  	_ =	swait.ge [sflag:s23], $0x1  }
0xa3: {  	[sflag:s23] =	ssyncset.done $0x0  }
0xa4: {  	s25 =	simm.s32 $0x1B8E;
	s24 =	sld [smem:$0x3FFE];
	[sflag:s23] =	ssyncadd.s32 $0xFFFFFFFF  }
0xa5: {  	s26 =	simm.s32 $execute0_lowered;
	[smem:$0x3FD2] =	sst s25  }
0xa6: {  	s5 =	sshll.u32 s26, $0x1;
	_ =	strace $0x80000046;
	[dreg:$0x1] =	wrdreg $0xFFFFFFFF  }
0xa7: {  	s28 =	simm.s32 $_size_execute0_lowered;
	s3 =	sadd.s32 s3, s5;
	[dreg:$0x0] =	wrdreg $0x0  }
0xa8: {  	s5 =	sshll.u32 s28, $0x1;
	[dreg:$0x2] =	wrdreg s3  }
0xa9: {  	[dreg:$0x3] =	wrdreg s5  }
0xaa: {  	[dreg:$0x4] =	wrdreg $0xC0  }
0xab: {  	_ =	task [dreg:s7], $0x5FFFF  }
0xac: {  	[dreg:$0x1] =	wrdreg $0xFFFFFFFF  }
0xad: {  	[dreg:$0x0] =	wrdreg $0x60  }
0xae: {  	[dreg:$0x2] =	wrdreg s24  }
0xaf: {  	[dreg:$0x3] =	wrdreg s2  }
0xb0: {  	[dreg:$0x4] =	wrdreg $0x9  }
0xb1: {  	_ =	task.clear_ibuf [dreg:s7], $0x5FFFF;
	_ =	strace $0x90000046  }
0xb2: {  	s29 =	simm.s32 $0x9;
	_ =	strace $0x80000048  }
0xb3: {  	_ =	swait.ge [sflag:s29], $0x1  }
0xb4: {  	[sflag:s29] =	ssyncadd.s32 $0xFFFFFFFF  }
0xb5: {  	_ =	strace $0x90000048  }
0xb6: {  	_ =	sfence  }
0xb7: {  	s30 =	sld [smem:$0x0];
	_ =	sdelay $0x2  }
0xb8: {  	s31 =	sshll.u32 s1, $0xD;
	s1 =	sshrl.u32 s1, $0x2  }
0xb9: {  	s3 =	sand.u32 $0x4000, s31;
	s1 =	sadd.s32 s1, s30  }
0xba: {  	s0 =	sor.u32 s3, s0;
	s1 =	sshll.u32 s1, $0x11  }
0xbb: {  	s0 =	sor.u32 s1, s0  }
0xbc: {  	s0 =	sadd.s32 $0x8F2B, s0  }
0xbd: {  	[sflag:s0] =	ssyncadd.remote.s32 $0x1  }
0xbe: {  	_ =	sfence.sel $0xFFFF  }
0xbf: {  	[dreg:$0x0] =	wrdreg $0xFFFFFFFF;
	(pc) =	sbr.abs _section_cstart, $3  }
0xc0: {  	[dreg:$0x1] =	wrdreg $0xFFFFFFFF  }
0xc1: {  	_ =	task.clear_ibuf [dreg:s7], $0x2FFFF;
	_ =	strace $0x9FFFFFFF  }
0xc2: {  	(tm) =	ssettm $0x7FFFFFFF  }
0xc3: {  	_ =	shalt  }
tec
execute0_lowered:
.L_overlay_start_1:
0x0: {  	(tag) =	ssettag $0x1  }
0x1: {  	s1 =	srdreg.scid  }
0x2: {  	s0 =	stileid.u32;
	s3 =	rddreg [dreg:$0x0]  }
0x3: {  	s5 =	rddreg [dreg:$0x1];
	s2 =	simm.s32 $0x0;
	s9 =	simm.s32 $0x6800  }
0x4: {  	s10 =	simm.s32 $0x1;
	s11 =	simm.s32 $0x7480;
	s12 =	simm.s32 $0x0  }
0x5: {  	s4 =	sand.u32 $0x1, s1;
	s31 =	sshll.u32 s0, $0x1;
	s1 =	rddreg [dreg:$0x2]  }
0x6: {  	[smem:$0x7FF] =	sst s2;
	s6 =	sor.u32 s4, s31;
	s4 =	ssub.s32 $0x2, s4  }
0x7: {  	s7 =	smul.u32 $0xD00, s6;
	s8 =	sshrl.u32 s4, $0x1;
	s6 =	sshll.u32 s6, $0x9  }
0x8: {  	_ =	strace $0x80000047;
	s8 =	ssub.s32 s4, s8;
	s5 =	sadd.s32 s5, s6  }
0x9: {  	s7 =	sadd.s32 s7, s3;
	s3 =	sadd.s32 $0xF42A00, s3;
	s6 =	smax.u32 s8, $0x1  }
0xa: {  	s8 =	simm.s32 $0x64;
	s4 =	sadd.s32 $0x600, s7;
	s7 =	simm.s32 $0x2  }
.LBB2_1:
0xb: {  	[tilespmem:s2], [sflag:$0x2] =	stream.linear.gather [hbm4b:s4+s2], $0x6800, $0x38;
	[tilespmem:$0x8480] =	vst v63  }
0xc: {  	_ =	swait.ge [sflag:s7], $0x6800  }
0xd: {  	[sflag:s7] =	ssyncset.done $0x0  }
0xe: {  	s13 =	simm.s32 $0x0;
	[sflag:s7] =	ssyncadd.s32 $0xFFFF9800  }
.LBB2_2:
0xf: {  	s14 =	smul.u32 $0x340, s13;
	_ =	sdelay $0x1  }
0x10: {  	s14 =	sshra.s32 s14, $0x2  }
0x11: {  	[tilespmem:s9], [sflag:$0x1] =	stream.indirect.gather [hbm4b:s3+s8], $0x20, s14, s8, $0xb8;
	[tilespmem:$0x8480] =	vst v63  }
0x12: {  	_ =	swait.ge [sflag:s10], $0xC80  }
0x13: {  	[sflag:s10] =	ssyncset.done $0x0  }
0x14: {  	s16 =	simm.s32 $0x0;
	[sflag:s10] =	ssyncadd.s32 $0xFFFFF380  }
0x15: {  	v1 =	vld [tilespmem:s16+$0x6810]  }
0x16: {  	v0 =	vimm.f32 $0.0e+00;
	s15 =	simm.s32 $0x80;
	v2 =	vimm.f32 $0.0e+00;
	v3 =	vld [tilespmem:s16+$0x6800]  }
.LBB2_3:
0x17: {  	p0 =	sne.s32 s15, $0x3180  }
.Ltmp0:
0x18: {  	_ = 	snop;
	(pc) =	sbr.rel @p0 .LBB2_3-.Ltmp0, $4  }
0x19: {  	_ = 	snop  }
0x1a: {  	s16 =	sshra.s32 s15, $0x2;
	s15 =	sadd.s32 $0x80, s15;
	v0 =	vadd.f32 v1, v0  }
0x1b: {  	v1 =	vld [tilespmem:s16+$0x6810];
	v2 =	vadd.f32 v3, v2  }
0x1c: {  	v3 =	vld [tilespmem:s16+$0x6800]  }
0x1d: {  	s14 =	sadd.s32 $0x68, s14  }
0x1e: {  	[tilespmem:s9], [sflag:$0x1] =	stream.indirect.gather [hbm4b:s3+s8], $0x20, s14, s8, $0xb8;
	[tilespmem:$0x8480] =	vst v63  }
0x1f: {  	_ =	swait.ge [sflag:s10], $0xC80  }
0x20: {  	[sflag:s10] =	ssyncset.done $0x0  }
0x21: {  	s15 =	simm.s32 $0x0;
	[sflag:s10] =	ssyncadd.s32 $0xFFFFF380  }
0x22: {  	v4 =	vld [tilespmem:s15+$0x6810]  }
0x23: {  	s14 =	simm.s32 $0x80;
	v0 =	vadd.f32 v1, v0;
	v1 =	vadd.f32 v3, v2;
	v2 =	vld [tilespmem:s15+$0x6800]  }
.LBB2_5:
0x24: {  	p0 =	sne.s32 s14, $0x3180  }
.Ltmp1:
0x25: {  	_ = 	snop;
	(pc) =	sbr.rel @p0 .LBB2_5-.Ltmp1, $4  }
0x26: {  	_ = 	snop  }
0x27: {  	s15 =	sshra.s32 s14, $0x2;
	s14 =	sadd.s32 $0x80, s14;
	v0 =	vadd.f32 v4, v0  }
0x28: {  	v4 =	vld [tilespmem:s15+$0x6810];
	v1 =	vadd.f32 v2, v1  }
0x29: {  	v2 =	vld [tilespmem:s15+$0x6800]  }
0x2a: {  	s14 =	sshll.u32 s13, $0x5;
	s13 =	sadd.s32 $0x1, s13  }
0x2b: {  	p0 =	sne.s32 s13, $0x80  }
.Ltmp2:
0x2c: {  	_ = 	snop;
	(pc) =	sbr.rel @p0 .LBB2_2-.Ltmp2, $4  }
0x2d: {  	v0 =	vadd.f32 v4, v0  }
0x2e: {  	s14 =	sand.u32 $0x3FFFFFE0, s14;
	v1 =	vadd.f32 v2, v1  }
0x2f: {  	[tilespmem:s14+$0x7490] =	vst v0  }
0x30: {  	[tilespmem:s14+$0x7480] =	vst v1  }
0x31: {  	s12 =	sadd.s32 $0x1, s12  }
0x32: {  	p0 =	sne.s32 s12, s6  }
.Ltmp3:
0x33: {  	_ = 	snop;
	(pc) =	sbr.rel @p0 .LBB2_1-.Ltmp3, $4  }
0x34: {  	[hbm4b:s5+s2] =	stream.linear.scatter [tilespmem:s11], [sflag:$0x2], $0x1000, $0x38;
	[tilespmem:$0x8480] =	vst v63  }
0x35: {  	_ =	swait.ge [sflag:s7], $0x1000  }
0x36: {  	[sflag:s7] =	ssyncset.done $0x0  }
0x37: {  	[sflag:s7] =	ssyncadd.s32 $0xFFFFF000  }
0x38: {  	_ =	sfence.sel $0x180000  }
0x39: {  	[bflag:$0x0] =	sbarrier.arrive $0xFFFF  }
0x3a: {  	p0 =	sne.s32 s0, $0x0;
	_ =	strace $0x90000047  }
0x3b: {  	s0 =	sadd.s32 @!p0 $0x100000, s1;
	[bflag:$0x2] =	sbarrier.arrive $0xFFFF  }
0x3c: {  	[sflag:s0] =	ssyncadd.tile.s32 @!p0 $0x1;
	_ =	shalt  }
.Lfunc_end2:
_tile_overlayer_lowered:
.L_overlay_start_2:
0x3d: {  	(tag) =	ssettag $0x2  }
0x3e: {  	s0 =	rddreg [dreg:$0x0];
	s2 =	stileid.u32  }
0x3f: {  	s1 =	rddreg [dreg:$0x1];
	p0 =	sne.s32 s2, $0x0  }
0x40: {  	s3 =	rddreg [dreg:$0x2];
	[bflag:$0x3] =	sbarrier.arrive $0xFFFF;
	s2 =	simm.s32 @!p0 $0x1C02  }
0x41: {  	[timem:s3], [sflag:s2] =	dma.local @!p0 [hbm:s0], s1  }
0x42: {  	s0 =	simm.s32 @!p0 $0x2  }
0x43: {  	_ =	swait.ge @!p0 [sflag:s0], s1  }
0x44: {  	s1 =	ssub.s32 @!p0 $0x0, s1;
	[sflag:s0] =	ssyncset.done @!p0 $0x0  }
0x45: {  	[sflag:s0] =	ssyncadd.s32 @!p0 s1  }
0x46: {  	[bflag:$0x3] =	sbarrier.arrive $0xFFFF  }
0x47: {  	_ =	shalt  }

</sc_bundles>
